<compile_context>
chip_gen: v7x
topology: tpu7x:2x2x1
jax: 0.10.2.dev20260603
libtpu: 0.0.44.dev20260713+nightly
codegen_flags: <defaults>
</compile_context>

<pallas_src>
import functools

import jax
import jax.numpy as jnp
from jax import lax
from jax.experimental import pallas as pl
from jax.experimental.pallas import tpu as pltpu
from jax.experimental.pallas import tpu_sc as plsc

D_MODEL = 2048
NC = 2
NS = 16
NW = NC * NS
CH = 8
NBUF = 4


@functools.lru_cache(maxsize=None)
def _make_gather(b_total):
    b_per_w = b_total // NW
    nchunk = b_per_w // CH

    mesh = plsc.VectorSubcoreMesh(core_axis_name="c", subcore_axis_name="s")

    scratch = (
        [pltpu.VMEM((nchunk, CH), jnp.int32)]
        + [pltpu.VMEM((CH, D_MODEL), jnp.float32)] * NBUF
        + [pltpu.SemaphoreType.DMA] * NBUF
    )

    @functools.partial(
        pl.kernel,
        mesh=mesh,
        out_type=jax.ShapeDtypeStruct((b_total, D_MODEL), jnp.float32),
        scratch_types=scratch,
    )
    def gather_kernel(table, idx, out, idx_v, *bufs_and_sems):
        rows = bufs_and_sems[:NBUF]
        gsem = bufs_and_sems[NBUF:]

        wid = lax.axis_index("s") * NC + lax.axis_index("c")
        base = wid * b_per_w
        pltpu.sync_copy(idx.at[wid], idx_v)

        def start_g(b, c):
            pltpu.async_copy(table.at[idx_v.at[c]], rows[b], gsem[b])

        def wait_g(b):
            pltpu.make_async_copy(table.at[pl.ds(0, CH)], rows[b], gsem[b]).wait()

        for j in range(NBUF):
            start_g(j, j)

        def step(h, carry):
            for b in range(NBUF):
                c = (h + 1) * NBUF + b
                wait_g(b)
                start_g(b, c)
            return carry

        lax.fori_loop(0, nchunk // NBUF - 1, step, 0)
        for j in range(NBUF):
            wait_g(j)
        pltpu.sync_copy(rows[0], out.at[pl.ds(base, CH)])

    return gather_kernel


@jax.jit
def _impl(position_ids, wpe):
    b, s = position_ids.shape
    b_total = b * s
    idx = position_ids.astype(jnp.int32).reshape(NW, b_total // NW // CH, CH)
    out = _make_gather(b_total)(wpe, idx)
    return out.reshape(b, s, D_MODEL)


def kernel(position_ids, wpe):
    return _impl(position_ids, wpe)

# --- scband reference (transcript-rebuilt; emitter-appended) ---
"""Pipeline reference for scband-gptposition-embedding-43198781063588 (READ-ONLY COPY).

The authoritative reference and input builder live on the scoring server;
editing this copy changes nothing except your own understanding.
"""

import jax, jax.numpy as jnp
import numpy as np

MAX_POS = 8192
D_MODEL = 2048
BATCH = 4
SEQ = 8192

def setup_inputs(seed: int = 0) -> dict:
    key = jax.random.key(seed)
    k_idx, k_w = jax.random.split(key)
    position_ids = jax.random.randint(k_idx, (BATCH, SEQ), 0, MAX_POS, dtype=jnp.int64 if jax.config.jax_enable_x64 else jnp.int32)
    wpe = jax.random.normal(k_w, (MAX_POS, D_MODEL), dtype=jnp.float32) * 0.02
    return {"position_ids": position_ids, "wpe": wpe}

def reference(position_ids, wpe):
    # GPT position embedding lookup: out[b, s, :] = wpe[position_ids[b, s], :]
    return jnp.take(wpe, position_ids, axis=0)

if __name__ == "__main__":
    import jax
    _d = setup_inputs()
    print(jax.jit(kernel)(*tuple(_d.values())))

</pallas_src>

<mosaic_0001>
#map = affine_map<(d0, d1) -> (0, 0)>
#map1 = affine_map<(d0, d1) -> (0, 0, 0)>
module attributes {stable_mosaic.version = 14 : i64} {
  func.func @gather_kernel(%arg0: i32, %arg1: i32, %arg2: memref<8192x2048xf32, #tpu.memory_space<hbm>>, %arg3: memref<32x128x8xi32, #tpu.memory_space<hbm>>, %arg4: memref<32768x2048xf32, #tpu.memory_space<hbm>>, %arg5: memref<128x8xi32, #tpu.memory_space<vmem>>, %arg6: memref<8x2048xf32, #tpu.memory_space<vmem>>, %arg7: memref<8x2048xf32, #tpu.memory_space<vmem>>, %arg8: memref<8x2048xf32, #tpu.memory_space<vmem>>, %arg9: memref<8x2048xf32, #tpu.memory_space<vmem>>, %arg10: memref<!tpu.dma_semaphore, #tpu.memory_space<semaphore_mem>>, %arg11: memref<!tpu.dma_semaphore, #tpu.memory_space<semaphore_mem>>, %arg12: memref<!tpu.dma_semaphore, #tpu.memory_space<semaphore_mem>>, %arg13: memref<!tpu.dma_semaphore, #tpu.memory_space<semaphore_mem>>) attributes {dimension_semantics = [#tpu.dimension_semantics<core_parallel>, #tpu.dimension_semantics<subcore_parallel>], iteration_bounds = array<i64: 2, 16>, scalar_prefetch = 0 : i64, scratch_operands = 9 : i64, tpu.core_type = #tpu.core_type<sc_vector_subcore>, window_params = [{transform_indices = #map}, {transform_indices = #map1}, {transform_indices = #map}]} {
    %mul3A = arith.constant 2 : i32
    %mul3A_0 = arith.muli %arg1, %mul3A : i32
    %add3A = arith.addi %mul3A_0, %arg0 : i32
    %mul3A_1 = arith.constant 1024 : i32
    %mul3A_2 = arith.muli %add3A, %mul3A_1 : i32
    "tpu.region"() ({
      %run_scoped3A = tpu.sem_alloc : memref<!tpu.dma_semaphore, #tpu.memory_space<semaphore_mem>>
      %dma_start3A_58 = arith.constant 0 : i32
      %dma_start3A_59 = arith.constant 0 : i32
      %dma_start3A_60 = tpu.memref_slice %arg3[%add3A, %dma_start3A_58, %dma_start3A_59] : memref<32x128x8xi32, #tpu.memory_space<hbm>> -> memref<1x128x8xi32, #tpu.memory_space<hbm>>
      %dma_start3A_61 = tpu.memref_squeeze %dma_start3A_60 : memref<1x128x8xi32, #tpu.memory_space<hbm>> -> memref<128x8xi32, #tpu.memory_space<hbm>>
      %dma_start3A_62 = arith.constant 0 : i32
      %dma_start3A_63 = arith.constant 0 : i32
      %dma_start3A_64 = tpu.memref_slice %arg3[%add3A, %dma_start3A_62, %dma_start3A_63] : memref<32x128x8xi32, #tpu.memory_space<hbm>> -> memref<1x128x8xi32, #tpu.memory_space<hbm>>
      %dma_start3A_65 = tpu.memref_squeeze %dma_start3A_64 : memref<1x128x8xi32, #tpu.memory_space<hbm>> -> memref<128x8xi32, #tpu.memory_space<hbm>>
      tpu.enqueue_dma source(%dma_start3A_65 : memref<128x8xi32, #tpu.memory_space<hbm>>) target(%arg5 : memref<128x8xi32, #tpu.memory_space<vmem>>) target_semaphore(%run_scoped3A : memref<!tpu.dma_semaphore, #tpu.memory_space<semaphore_mem>>)
      %dma_wait3A_66 = arith.constant 0 : i32
      %dma_wait3A_67 = arith.constant 0 : i32
      %dma_wait3A_68 = tpu.memref_slice %arg3[%add3A, %dma_wait3A_66, %dma_wait3A_67] : memref<32x128x8xi32, #tpu.memory_space<hbm>> -> memref<1x128x8xi32, #tpu.memory_space<hbm>>
      %dma_wait3A_69 = tpu.memref_squeeze %dma_wait3A_68 : memref<1x128x8xi32, #tpu.memory_space<hbm>> -> memref<128x8xi32, #tpu.memory_space<hbm>>
      %dma_wait3A_70 = arith.constant 0 : i32
      %dma_wait3A_71 = arith.constant 0 : i32
      %dma_wait3A_72 = tpu.memref_slice %arg3[%add3A, %dma_wait3A_70, %dma_wait3A_71] : memref<32x128x8xi32, #tpu.memory_space<hbm>> -> memref<1x128x8xi32, #tpu.memory_space<hbm>>
      %dma_wait3A_73 = tpu.memref_squeeze %dma_wait3A_72 : memref<1x128x8xi32, #tpu.memory_space<hbm>> -> memref<128x8xi32, #tpu.memory_space<hbm>>
      tpu.wait_dma2 semaphore(%run_scoped3A : memref<!tpu.dma_semaphore, #tpu.memory_space<semaphore_mem>>) src(%dma_wait3A_73 : memref<128x8xi32, #tpu.memory_space<hbm>>) dst(%arg5 : memref<128x8xi32, #tpu.memory_space<vmem>>)
      tpu.yield
    }) : () -> ()
    %dma_start3A = arith.constant 0 : i32
    %dma_start3A_3 = arith.constant 0 : i32
    %dma_start3A_4 = tpu.memref_slice %arg5[%dma_start3A, %dma_start3A_3] : memref<128x8xi32, #tpu.memory_space<vmem>> -> memref<1x8xi32, #tpu.memory_space<vmem>>
    %dma_start3A_5 = tpu.memref_squeeze %dma_start3A_4 : memref<1x8xi32, #tpu.memory_space<vmem>> -> memref<8xi32, #tpu.memory_space<vmem>>
    %dma_start3A_6 = arith.constant 0 : i32
    %dma_start3A_7 = arith.constant 0 : i32
    %dma_start3A_8 = tpu.memref_slice %arg2[%dma_start3A_6, %dma_start3A_7] : memref<8192x2048xf32, #tpu.memory_space<hbm>> -> memref<8192x2048xf32, #tpu.memory_space<hbm>>
    tpu.enqueue_indirect_dma source(%dma_start3A_8 : memref<8192x2048xf32, #tpu.memory_space<hbm>>) target(%arg6 : memref<8x2048xf32, #tpu.memory_space<vmem>>) offsets(%dma_start3A_5 : memref<8xi32, #tpu.memory_space<vmem>>) semaphore(%arg10 : memref<!tpu.dma_semaphore, #tpu.memory_space<semaphore_mem>>)
    %dma_start3A_9 = arith.constant 1 : i32
    %dma_start3A_10 = arith.constant 0 : i32
    %dma_start3A_11 = tpu.memref_slice %arg5[%dma_start3A_9, %dma_start3A_10] : memref<128x8xi32, #tpu.memory_space<vmem>> -> memref<1x8xi32, #tpu.memory_space<vmem>>
    %dma_start3A_12 = tpu.memref_squeeze %dma_start3A_11 : memref<1x8xi32, #tpu.memory_space<vmem>> -> memref<8xi32, #tpu.memory_space<vmem>>
    %dma_start3A_13 = arith.constant 0 : i32
    %dma_start3A_14 = arith.constant 0 : i32
    %dma_start3A_15 = tpu.memref_slice %arg2[%dma_start3A_13, %dma_start3A_14] : memref<8192x2048xf32, #tpu.memory_space<hbm>> -> memref<8192x2048xf32, #tpu.memory_space<hbm>>
    tpu.enqueue_indirect_dma source(%dma_start3A_15 : memref<8192x2048xf32, #tpu.memory_space<hbm>>) target(%arg7 : memref<8x2048xf32, #tpu.memory_space<vmem>>) offsets(%dma_start3A_12 : memref<8xi32, #tpu.memory_space<vmem>>) semaphore(%arg11 : memref<!tpu.dma_semaphore, #tpu.memory_space<semaphore_mem>>)
    %dma_start3A_16 = arith.constant 2 : i32
    %dma_start3A_17 = arith.constant 0 : i32
    %dma_start3A_18 = tpu.memref_slice %arg5[%dma_start3A_16, %dma_start3A_17] : memref<128x8xi32, #tpu.memory_space<vmem>> -> memref<1x8xi32, #tpu.memory_space<vmem>>
    %dma_start3A_19 = tpu.memref_squeeze %dma_start3A_18 : memref<1x8xi32, #tpu.memory_space<vmem>> -> memref<8xi32, #tpu.memory_space<vmem>>
    %dma_start3A_20 = arith.constant 0 : i32
    %dma_start3A_21 = arith.constant 0 : i32
    %dma_start3A_22 = tpu.memref_slice %arg2[%dma_start3A_20, %dma_start3A_21] : memref<8192x2048xf32, #tpu.memory_space<hbm>> -> memref<8192x2048xf32, #tpu.memory_space<hbm>>
    tpu.enqueue_indirect_dma source(%dma_start3A_22 : memref<8192x2048xf32, #tpu.memory_space<hbm>>) target(%arg8 : memref<8x2048xf32, #tpu.memory_space<vmem>>) offsets(%dma_start3A_19 : memref<8xi32, #tpu.memory_space<vmem>>) semaphore(%arg12 : memref<!tpu.dma_semaphore, #tpu.memory_space<semaphore_mem>>)
    %dma_start3A_23 = arith.constant 3 : i32
    %dma_start3A_24 = arith.constant 0 : i32
    %dma_start3A_25 = tpu.memref_slice %arg5[%dma_start3A_23, %dma_start3A_24] : memref<128x8xi32, #tpu.memory_space<vmem>> -> memref<1x8xi32, #tpu.memory_space<vmem>>
    %dma_start3A_26 = tpu.memref_squeeze %dma_start3A_25 : memref<1x8xi32, #tpu.memory_space<vmem>> -> memref<8xi32, #tpu.memory_space<vmem>>
    %dma_start3A_27 = arith.constant 0 : i32
    %dma_start3A_28 = arith.constant 0 : i32
    %dma_start3A_29 = tpu.memref_slice %arg2[%dma_start3A_27, %dma_start3A_28] : memref<8192x2048xf32, #tpu.memory_space<hbm>> -> memref<8192x2048xf32, #tpu.memory_space<hbm>>
    tpu.enqueue_indirect_dma source(%dma_start3A_29 : memref<8192x2048xf32, #tpu.memory_space<hbm>>) target(%arg9 : memref<8x2048xf32, #tpu.memory_space<vmem>>) offsets(%dma_start3A_26 : memref<8xi32, #tpu.memory_space<vmem>>) semaphore(%arg13 : memref<!tpu.dma_semaphore, #tpu.memory_space<semaphore_mem>>)
    %scan3A = arith.constant 0 : i32
    %scan3A_30 = arith.constant 0 : i32
    %scan3A_31 = arith.constant 31 : i32
    %scan3A_32 = arith.addi %scan3A_30, %scan3A_31 : i32
    %scan3A_33 = arith.constant 1 : i32
    scf.for %scan3A_58 = %scan3A_30 to %scan3A_32 step %scan3A_33  : i32 {
      %add3A_59 = arith.constant 1 : i32
      %add3A_60 = arith.addi %scan3A_58, %add3A_59 : i32
      %mul3A_61 = arith.constant 4 : i32
      %mul3A_62 = arith.muli %add3A_60, %mul3A_61 : i32
      %add3A_63 = arith.constant 0 : i32
      %add3A_64 = arith.addi %mul3A_62, %add3A_63 : i32
      %dma_wait3A_65 = arith.constant 0 : i32
      %dma_wait3A_66 = arith.constant 0 : i32
      %dma_wait3A_67 = tpu.memref_slice %arg2[%dma_wait3A_65, %dma_wait3A_66] : memref<8192x2048xf32, #tpu.memory_space<hbm>> -> memref<8x2048xf32, #tpu.memory_space<hbm>>
      %dma_wait3A_68 = arith.constant 0 : i32
      %dma_wait3A_69 = arith.constant 0 : i32
      %dma_wait3A_70 = tpu.memref_slice %arg2[%dma_wait3A_68, %dma_wait3A_69] : memref<8192x2048xf32, #tpu.memory_space<hbm>> -> memref<8x2048xf32, #tpu.memory_space<hbm>>
      tpu.wait_dma2 semaphore(%arg10 : memref<!tpu.dma_semaphore, #tpu.memory_space<semaphore_mem>>) src(%dma_wait3A_70 : memref<8x2048xf32, #tpu.memory_space<hbm>>) dst(%arg6 : memref<8x2048xf32, #tpu.memory_space<vmem>>)
      %dma_start3A_71 = arith.constant 0 : i32
      %dma_start3A_72 = tpu.memref_slice %arg5[%add3A_64, %dma_start3A_71] : memref<128x8xi32, #tpu.memory_space<vmem>> -> memref<1x8xi32, #tpu.memory_space<vmem>>
      %dma_start3A_73 = tpu.memref_squeeze %dma_start3A_72 : memref<1x8xi32, #tpu.memory_space<vmem>> -> memref<8xi32, #tpu.memory_space<vmem>>
      %dma_start3A_74 = arith.constant 0 : i32
      %dma_start3A_75 = arith.constant 0 : i32
      %dma_start3A_76 = tpu.memref_slice %arg2[%dma_start3A_74, %dma_start3A_75] : memref<8192x2048xf32, #tpu.memory_space<hbm>> -> memref<8192x2048xf32, #tpu.memory_space<hbm>>
      tpu.enqueue_indirect_dma source(%dma_start3A_76 : memref<8192x2048xf32, #tpu.memory_space<hbm>>) target(%arg6 : memref<8x2048xf32, #tpu.memory_space<vmem>>) offsets(%dma_start3A_73 : memref<8xi32, #tpu.memory_space<vmem>>) semaphore(%arg10 : memref<!tpu.dma_semaphore, #tpu.memory_space<semaphore_mem>>)
      %add3A_77 = arith.constant 1 : i32
      %add3A_78 = arith.addi %scan3A_58, %add3A_77 : i32
      %mul3A_79 = arith.constant 4 : i32
      %mul3A_80 = arith.muli %add3A_78, %mul3A_79 : i32
      %add3A_81 = arith.constant 1 : i32
      %add3A_82 = arith.addi %mul3A_80, %add3A_81 : i32
      %dma_wait3A_83 = arith.constant 0 : i32
      %dma_wait3A_84 = arith.constant 0 : i32
      %dma_wait3A_85 = tpu.memref_slice %arg2[%dma_wait3A_83, %dma_wait3A_84] : memref<8192x2048xf32, #tpu.memory_space<hbm>> -> memref<8x2048xf32, #tpu.memory_space<hbm>>
      %dma_wait3A_86 = arith.constant 0 : i32
      %dma_wait3A_87 = arith.constant 0 : i32
      %dma_wait3A_88 = tpu.memref_slice %arg2[%dma_wait3A_86, %dma_wait3A_87] : memref<8192x2048xf32, #tpu.memory_space<hbm>> -> memref<8x2048xf32, #tpu.memory_space<hbm>>
      tpu.wait_dma2 semaphore(%arg11 : memref<!tpu.dma_semaphore, #tpu.memory_space<semaphore_mem>>) src(%dma_wait3A_88 : memref<8x2048xf32, #tpu.memory_space<hbm>>) dst(%arg7 : memref<8x2048xf32, #tpu.memory_space<vmem>>)
      %dma_start3A_89 = arith.constant 0 : i32
      %dma_start3A_90 = tpu.memref_slice %arg5[%add3A_82, %dma_start3A_89] : memref<128x8xi32, #tpu.memory_space<vmem>> -> memref<1x8xi32, #tpu.memory_space<vmem>>
      %dma_start3A_91 = tpu.memref_squeeze %dma_start3A_90 : memref<1x8xi32, #tpu.memory_space<vmem>> -> memref<8xi32, #tpu.memory_space<vmem>>
      %dma_start3A_92 = arith.constant 0 : i32
      %dma_start3A_93 = arith.constant 0 : i32
      %dma_start3A_94 = tpu.memref_slice %arg2[%dma_start3A_92, %dma_start3A_93] : memref<8192x2048xf32, #tpu.memory_space<hbm>> -> memref<8192x2048xf32, #tpu.memory_space<hbm>>
      tpu.enqueue_indirect_dma source(%dma_start3A_94 : memref<8192x2048xf32, #tpu.memory_space<hbm>>) target(%arg7 : memref<8x2048xf32, #tpu.memory_space<vmem>>) offsets(%dma_start3A_91 : memref<8xi32, #tpu.memory_space<vmem>>) semaphore(%arg11 : memref<!tpu.dma_semaphore, #tpu.memory_space<semaphore_mem>>)
      %add3A_95 = arith.constant 1 : i32
      %add3A_96 = arith.addi %scan3A_58, %add3A_95 : i32
      %mul3A_97 = arith.constant 4 : i32
      %mul3A_98 = arith.muli %add3A_96, %mul3A_97 : i32
      %add3A_99 = arith.constant 2 : i32
      %add3A_100 = arith.addi %mul3A_98, %add3A_99 : i32
      %dma_wait3A_101 = arith.constant 0 : i32
      %dma_wait3A_102 = arith.constant 0 : i32
      %dma_wait3A_103 = tpu.memref_slice %arg2[%dma_wait3A_101, %dma_wait3A_102] : memref<8192x2048xf32, #tpu.memory_space<hbm>> -> memref<8x2048xf32, #tpu.memory_space<hbm>>
      %dma_wait3A_104 = arith.constant 0 : i32
      %dma_wait3A_105 = arith.constant 0 : i32
      %dma_wait3A_106 = tpu.memref_slice %arg2[%dma_wait3A_104, %dma_wait3A_105] : memref<8192x2048xf32, #tpu.memory_space<hbm>> -> memref<8x2048xf32, #tpu.memory_space<hbm>>
      tpu.wait_dma2 semaphore(%arg12 : memref<!tpu.dma_semaphore, #tpu.memory_space<semaphore_mem>>) src(%dma_wait3A_106 : memref<8x2048xf32, #tpu.memory_space<hbm>>) dst(%arg8 : memref<8x2048xf32, #tpu.memory_space<vmem>>)
      %dma_start3A_107 = arith.constant 0 : i32
      %dma_start3A_108 = tpu.memref_slice %arg5[%add3A_100, %dma_start3A_107] : memref<128x8xi32, #tpu.memory_space<vmem>> -> memref<1x8xi32, #tpu.memory_space<vmem>>
      %dma_start3A_109 = tpu.memref_squeeze %dma_start3A_108 : memref<1x8xi32, #tpu.memory_space<vmem>> -> memref<8xi32, #tpu.memory_space<vmem>>
      %dma_start3A_110 = arith.constant 0 : i32
      %dma_start3A_111 = arith.constant 0 : i32
      %dma_start3A_112 = tpu.memref_slice %arg2[%dma_start3A_110, %dma_start3A_111] : memref<8192x2048xf32, #tpu.memory_space<hbm>> -> memref<8192x2048xf32, #tpu.memory_space<hbm>>
      tpu.enqueue_indirect_dma source(%dma_start3A_112 : memref<8192x2048xf32, #tpu.memory_space<hbm>>) target(%arg8 : memref<8x2048xf32, #tpu.memory_space<vmem>>) offsets(%dma_start3A_109 : memref<8xi32, #tpu.memory_space<vmem>>) semaphore(%arg12 : memref<!tpu.dma_semaphore, #tpu.memory_space<semaphore_mem>>)
      %add3A_113 = arith.constant 1 : i32
      %add3A_114 = arith.addi %scan3A_58, %add3A_113 : i32
      %mul3A_115 = arith.constant 4 : i32
      %mul3A_116 = arith.muli %add3A_114, %mul3A_115 : i32
      %add3A_117 = arith.constant 3 : i32
      %add3A_118 = arith.addi %mul3A_116, %add3A_117 : i32
      %dma_wait3A_119 = arith.constant 0 : i32
      %dma_wait3A_120 = arith.constant 0 : i32
      %dma_wait3A_121 = tpu.memref_slice %arg2[%dma_wait3A_119, %dma_wait3A_120] : memref<8192x2048xf32, #tpu.memory_space<hbm>> -> memref<8x2048xf32, #tpu.memory_space<hbm>>
      %dma_wait3A_122 = arith.constant 0 : i32
      %dma_wait3A_123 = arith.constant 0 : i32
      %dma_wait3A_124 = tpu.memref_slice %arg2[%dma_wait3A_122, %dma_wait3A_123] : memref<8192x2048xf32, #tpu.memory_space<hbm>> -> memref<8x2048xf32, #tpu.memory_space<hbm>>
      tpu.wait_dma2 semaphore(%arg13 : memref<!tpu.dma_semaphore, #tpu.memory_space<semaphore_mem>>) src(%dma_wait3A_124 : memref<8x2048xf32, #tpu.memory_space<hbm>>) dst(%arg9 : memref<8x2048xf32, #tpu.memory_space<vmem>>)
      %dma_start3A_125 = arith.constant 0 : i32
      %dma_start3A_126 = tpu.memref_slice %arg5[%add3A_118, %dma_start3A_125] : memref<128x8xi32, #tpu.memory_space<vmem>> -> memref<1x8xi32, #tpu.memory_space<vmem>>
      %dma_start3A_127 = tpu.memref_squeeze %dma_start3A_126 : memref<1x8xi32, #tpu.memory_space<vmem>> -> memref<8xi32, #tpu.memory_space<vmem>>
      %dma_start3A_128 = arith.constant 0 : i32
      %dma_start3A_129 = arith.constant 0 : i32
      %dma_start3A_130 = tpu.memref_slice %arg2[%dma_start3A_128, %dma_start3A_129] : memref<8192x2048xf32, #tpu.memory_space<hbm>> -> memref<8192x2048xf32, #tpu.memory_space<hbm>>
      tpu.enqueue_indirect_dma source(%dma_start3A_130 : memref<8192x2048xf32, #tpu.memory_space<hbm>>) target(%arg9 : memref<8x2048xf32, #tpu.memory_space<vmem>>) offsets(%dma_start3A_127 : memref<8xi32, #tpu.memory_space<vmem>>) semaphore(%arg13 : memref<!tpu.dma_semaphore, #tpu.memory_space<semaphore_mem>>)
    }
    %scan3A_34 = arith.constant 31 : i32
    %dma_wait3A = arith.constant 0 : i32
    %dma_wait3A_35 = arith.constant 0 : i32
    %dma_wait3A_36 = tpu.memref_slice %arg2[%dma_wait3A, %dma_wait3A_35] : memref<8192x2048xf32, #tpu.memory_space<hbm>> -> memref<8x2048xf32, #tpu.memory_space<hbm>>
    %dma_wait3A_37 = arith.constant 0 : i32
    %dma_wait3A_38 = arith.constant 0 : i32
    %dma_wait3A_39 = tpu.memref_slice %arg2[%dma_wait3A_37, %dma_wait3A_38] : memref<8192x2048xf32, #tpu.memory_space<hbm>> -> memref<8x2048xf32, #tpu.memory_space<hbm>>
    tpu.wait_dma2 semaphore(%arg10 : memref<!tpu.dma_semaphore, #tpu.memory_space<semaphore_mem>>) src(%dma_wait3A_39 : memref<8x2048xf32, #tpu.memory_space<hbm>>) dst(%arg6 : memref<8x2048xf32, #tpu.memory_space<vmem>>)
    %dma_wait3A_40 = arith.constant 0 : i32
    %dma_wait3A_41 = arith.constant 0 : i32
    %dma_wait3A_42 = tpu.memref_slice %arg2[%dma_wait3A_40, %dma_wait3A_41] : memref<8192x2048xf32, #tpu.memory_space<hbm>> -> memref<8x2048xf32, #tpu.memory_space<hbm>>
    %dma_wait3A_43 = arith.constant 0 : i32
    %dma_wait3A_44 = arith.constant 0 : i32
    %dma_wait3A_45 = tpu.memref_slice %arg2[%dma_wait3A_43, %dma_wait3A_44] : memref<8192x2048xf32, #tpu.memory_space<hbm>> -> memref<8x2048xf32, #tpu.memory_space<hbm>>
    tpu.wait_dma2 semaphore(%arg11 : memref<!tpu.dma_semaphore, #tpu.memory_space<semaphore_mem>>) src(%dma_wait3A_45 : memref<8x2048xf32, #tpu.memory_space<hbm>>) dst(%arg7 : memref<8x2048xf32, #tpu.memory_space<vmem>>)
    %dma_wait3A_46 = arith.constant 0 : i32
    %dma_wait3A_47 = arith.constant 0 : i32
    %dma_wait3A_48 = tpu.memref_slice %arg2[%dma_wait3A_46, %dma_wait3A_47] : memref<8192x2048xf32, #tpu.memory_space<hbm>> -> memref<8x2048xf32, #tpu.memory_space<hbm>>
    %dma_wait3A_49 = arith.constant 0 : i32
    %dma_wait3A_50 = arith.constant 0 : i32
    %dma_wait3A_51 = tpu.memref_slice %arg2[%dma_wait3A_49, %dma_wait3A_50] : memref<8192x2048xf32, #tpu.memory_space<hbm>> -> memref<8x2048xf32, #tpu.memory_space<hbm>>
    tpu.wait_dma2 semaphore(%arg12 : memref<!tpu.dma_semaphore, #tpu.memory_space<semaphore_mem>>) src(%dma_wait3A_51 : memref<8x2048xf32, #tpu.memory_space<hbm>>) dst(%arg8 : memref<8x2048xf32, #tpu.memory_space<vmem>>)
    %dma_wait3A_52 = arith.constant 0 : i32
    %dma_wait3A_53 = arith.constant 0 : i32
    %dma_wait3A_54 = tpu.memref_slice %arg2[%dma_wait3A_52, %dma_wait3A_53] : memref<8192x2048xf32, #tpu.memory_space<hbm>> -> memref<8x2048xf32, #tpu.memory_space<hbm>>
    %dma_wait3A_55 = arith.constant 0 : i32
    %dma_wait3A_56 = arith.constant 0 : i32
    %dma_wait3A_57 = tpu.memref_slice %arg2[%dma_wait3A_55, %dma_wait3A_56] : memref<8192x2048xf32, #tpu.memory_space<hbm>> -> memref<8x2048xf32, #tpu.memory_space<hbm>>
    tpu.wait_dma2 semaphore(%arg13 : memref<!tpu.dma_semaphore, #tpu.memory_space<semaphore_mem>>) src(%dma_wait3A_57 : memref<8x2048xf32, #tpu.memory_space<hbm>>) dst(%arg9 : memref<8x2048xf32, #tpu.memory_space<vmem>>)
    "tpu.region"() ({
      %run_scoped3A = tpu.sem_alloc : memref<!tpu.dma_semaphore, #tpu.memory_space<semaphore_mem>>
      %dma_start3A_58 = arith.constant 0 : i32
      %dma_start3A_59 = tpu.memref_slice %arg4[%mul3A_2, %dma_start3A_58] : memref<32768x2048xf32, #tpu.memory_space<hbm>> -> memref<8x2048xf32, #tpu.memory_space<hbm>>
      %dma_start3A_60 = arith.constant 0 : i32
      %dma_start3A_61 = tpu.memref_slice %arg4[%mul3A_2, %dma_start3A_60] : memref<32768x2048xf32, #tpu.memory_space<hbm>> -> memref<8x2048xf32, #tpu.memory_space<hbm>>
      tpu.enqueue_dma source(%arg6 : memref<8x2048xf32, #tpu.memory_space<vmem>>) target(%dma_start3A_61 : memref<8x2048xf32, #tpu.memory_space<hbm>>) target_semaphore(%run_scoped3A : memref<!tpu.dma_semaphore, #tpu.memory_space<semaphore_mem>>)
      %dma_wait3A_62 = arith.constant 0 : i32
      %dma_wait3A_63 = tpu.memref_slice %arg4[%mul3A_2, %dma_wait3A_62] : memref<32768x2048xf32, #tpu.memory_space<hbm>> -> memref<8x2048xf32, #tpu.memory_space<hbm>>
      %dma_wait3A_64 = arith.constant 0 : i32
      %dma_wait3A_65 = tpu.memref_slice %arg4[%mul3A_2, %dma_wait3A_64] : memref<32768x2048xf32, #tpu.memory_space<hbm>> -> memref<8x2048xf32, #tpu.memory_space<hbm>>
      tpu.wait_dma2 semaphore(%run_scoped3A : memref<!tpu.dma_semaphore, #tpu.memory_space<semaphore_mem>>) src(%arg6 : memref<8x2048xf32, #tpu.memory_space<vmem>>) dst(%dma_wait3A_65 : memref<8x2048xf32, #tpu.memory_space<hbm>>)
      tpu.yield
    }) : () -> ()
    return
  }
}

</mosaic_0001>

<sc_bundles>
// kernel: _impl.3.cloned.1.call-start
scs
__scs_entry_jumppad:
0x0: {  	(pc) =	sbr.rel $0x88, $3  }
0x1: {  	(tag) =	ssettag $0x0;
	lr =	simm.s32 $0x1  }
0x2: {  	[smem:$0x3F9F] =	sst lr;
	_ =	strace $0xD0000000  }
0x3: {  	_ = 	snop  }
0x4: {  	_ = 	snop  }
0x5: {  	_ = 	snop  }
0x6: {  	_ = 	snop  }
0x7: {  	_ = 	snop  }
__scs_overlays_trampoline_lowered:
0x8: {  	[smem:$0x3FAE] =	sst s0  }
0x9: {  	[smem:$0x3FAF] =	sst s1  }
0xa: {  	[smem:$0x3FB0] =	sst s2  }
0xb: {  	[smem:$0x3FB1] =	sst s3  }
0xc: {  	[smem:$0x3FB2] =	sst s4  }
0xd: {  	[smem:$0x3FB3] =	sst s5  }
0xe: {  	[smem:$0x3FB4] =	sst s6  }
0xf: {  	[smem:$0x3FB5] =	sst s7  }
0x10: {  	[smem:$0x3FB6] =	sst s8  }
0x11: {  	[smem:$0x3FB7] =	sst s9;
	s0 =	simm.s32 @!p0 $0x0  }
0x12: {  	s1 =	sld [smem:$0x3F9D];
	s0 =	simm.s32 @p0 $0x1  }
0x13: {  	[smem:$0x3FB8] =	sst s0;
	s0 =	simm.s32 @!p1 $0x0  }
0x14: {  	s2 =	sld [smem:$0x3F9C];
	s0 =	simm.s32 @p1 $0x1  }
0x15: {  	[smem:$0x3FB9] =	sst s0;
	s0 =	simm.s32 @!p2 $0x0  }
0x16: {  	s3 =	sld [smem:$0x3FDB];
	s0 =	simm.s32 @p2 $0x1  }
0x17: {  	s4 =	simm.s32 $0x1BF5;
	[smem:$0x3FBB] =	sst s0  }
0x18: {  	s0 =	sld [smem:$0x3F9E];
	_ =	swait.ge [sflag:s4], $0x0  }
0x19: {  	s7 =	sld [smem:$0x3F9F]  }
0x1a: {  	s8 =	sadd.s32 $0xFFFFE003, lr  }
0x1b: {  	s9 =	sadd.s32 $0xFFFFFEF7, lr;
	s5 =	simm.s32 $0xFFFFFFFF;
	p2 =	slt.u32 s8, $0xFFFFF086  }
0x1c: {  	p1 =	slt.u32 s9, $0xF7A;
	s5 =	simm.s32 @!p2 $0x0  }
0x1d: {  	s5 =	simm.s32 @p1 $0x1;
	p0 =	seq.s32 s7, s2  }
0x1e: {  	s7 =	smul.u32 @!p0 $0xF7A, s2;
	p2 =	seq.s32 @!p0 s5, $0x0  }
0x1f: {  	s9 =	smul.u32 $0xF7A, s1;
	s8 =	simm.s32 @!p0 $0x1BF5;
	p2 =	por !p2, p0  }
0x20: {  	[sflag:s8] =	ssyncset.s32 @!p0 $0xFFFFF086;
	s6 =	sadd.s32 @!p0 s3, s7;
	s7 =	simm.s32 @!p0 $0x108  }
0x21: {  	s3 =	sadd.s32 s3, s9;
	s6 =	sadd.s32 @!p0 $0x88, s6;
	s7 =	simm.s32 @p2 $0x1082  }
0x22: {  	[simem:s7], [sflag:s8] =	dma.local @!p0 [hbm:s6], $0xF7A  }
0x23: {  	s9 =	sor.u32 $0xD0000000, s2;
	s6 =	simm.s32 $0x108;
	_ =	swait.ge @!p0 [sflag:s8], $0x0  }
0x24: {  	s3 =	sadd.s32 $0x88, s3;
	s6 =	simm.s32 @!p1 $0x1082;
	[sflag:s4] =	ssyncset.s32 $0xFFFFF086  }
0x25: {  	[simem:s6], [sflag:s4] =	dma.local [hbm:s3], $0xF7A  }
0x26: {  	[smem:$0x3F9F] =	sst s1;
	(tag) =	ssettag s2;
	_ =	strace s9  }
0x27: {  	s1 =	sld [smem:$0x3FAF]  }
0x28: {  	s2 =	sld [smem:$0x3FB0]  }
0x29: {  	s4 =	sld [smem:$0x3FB2]  }
0x2a: {  	p0 =	seq.s32 s5, $0x0;
	s5 =	sld [smem:$0x3FB3]  }
0x2b: {  	s6 =	sld [smem:$0x3FB4]  }
0x2c: {  	s7 =	sld [smem:$0x3FB5]  }
0x2d: {  	s3 =	simm.s32 $0x108;
	s8 =	sld [smem:$0x3FB6]  }
0x2e: {  	s3 =	simm.s32 @!p0 $0x1082;
	s9 =	sld [smem:$0x3FB7]  }
0x2f: {  	lr =	sadd.s32 s0, s3;
	s0 =	sld [smem:$0x3FAE]  }
0x30: {  	s3 =	sld [smem:$0x3FB1]  }
0x31: {  	[smem:$0x3FBA] =	sst s10  }
0x32: {  	s10 =	sld [smem:$0x3FB8];
	_ =	sdelay $0x3  }
0x33: {  	p0 =	seq.s32 s10, $0x1;
	s10 =	sld [smem:$0x3FBA];
	_ =	sdelay $0x3  }
0x34: {  	[smem:$0x3FBA] =	sst s10  }
0x35: {  	s10 =	sld [smem:$0x3FB9];
	_ =	sdelay $0x3  }
0x36: {  	p1 =	seq.s32 s10, $0x1;
	s10 =	sld [smem:$0x3FBA];
	_ =	sdelay $0x3  }
0x37: {  	[smem:$0x3FBA] =	sst s10  }
0x38: {  	s10 =	sld [smem:$0x3FBB]  }
0x39: {  	_ = 	snop;
	(pc) =	sbr.ind lr, $3  }
0x3a: {  	_ = 	snop  }
0x3b: {  	_ = 	snop  }
0x3c: {  	p2 =	seq.s32 s10, $0x1;
	s10 =	sld [smem:$0x3FBA]  }
0x3d: {  	_ =	shalt  }
0x3e: {  	_ =	shalt  }
0x3f: {  	_ =	shalt  }
0x40: {  	_ =	shalt  }
0x41: {  	_ =	shalt  }
0x42: {  	_ =	shalt  }
0x43: {  	_ =	shalt  }
0x44: {  	_ =	shalt  }
0x45: {  	_ =	shalt  }
0x46: {  	_ =	shalt  }
0x47: {  	_ =	shalt  }
0x48: {  	_ =	shalt  }
0x49: {  	_ =	shalt  }
0x4a: {  	_ =	shalt  }
0x4b: {  	_ =	shalt  }
0x4c: {  	_ =	shalt  }
0x4d: {  	_ =	shalt  }
0x4e: {  	_ =	shalt  }
0x4f: {  	_ =	shalt  }
0x50: {  	_ =	shalt  }
0x51: {  	_ =	shalt  }
0x52: {  	_ =	shalt  }
0x53: {  	_ =	shalt  }
0x54: {  	_ =	shalt  }
0x55: {  	_ =	shalt  }
0x56: {  	_ =	shalt  }
0x57: {  	_ =	shalt  }
0x58: {  	_ =	shalt  }
0x59: {  	_ =	shalt  }
0x5a: {  	_ =	shalt  }
0x5b: {  	_ =	shalt  }
0x5c: {  	_ =	shalt  }
0x5d: {  	_ =	shalt  }
0x5e: {  	_ =	shalt  }
0x5f: {  	_ =	shalt  }
0x60: {  	_ =	shalt  }
0x61: {  	_ =	shalt  }
0x62: {  	_ =	shalt  }
0x63: {  	_ =	shalt  }
0x64: {  	_ =	shalt  }
0x65: {  	_ =	shalt  }
0x66: {  	_ =	shalt  }
0x67: {  	_ =	shalt  }
0x68: {  	_ =	shalt  }
0x69: {  	_ =	shalt  }
0x6a: {  	_ =	shalt  }
0x6b: {  	_ =	shalt  }
0x6c: {  	_ =	shalt  }
0x6d: {  	_ =	shalt  }
0x6e: {  	_ =	shalt  }
0x6f: {  	_ =	shalt  }
0x70: {  	_ =	shalt  }
0x71: {  	_ =	shalt  }
0x72: {  	_ =	shalt  }
0x73: {  	_ =	shalt  }
0x74: {  	_ =	shalt  }
0x75: {  	_ =	shalt  }
0x76: {  	_ =	shalt  }
0x77: {  	_ =	shalt  }
0x78: {  	_ =	shalt  }
0x79: {  	_ =	shalt  }
0x7a: {  	_ =	shalt  }
0x7b: {  	_ =	shalt  }
0x7c: {  	_ =	shalt  }
0x7d: {  	_ =	shalt  }
0x7e: {  	_ =	shalt  }
0x7f: {  	_ =	shalt  }
0x80: {  	_ =	shalt  }
0x81: {  	_ =	shalt  }
0x82: {  	_ =	shalt  }
0x83: {  	_ =	shalt  }
0x84: {  	_ =	shalt  }
0x85: {  	_ =	shalt  }
0x86: {  	_ =	shalt  }
0x87: {  	_ =	shalt  }
.Lfunc_end0:
.L_simem_size_0:
called_computation_lowered:
.L_overlay_start_0:
0x88: {  	s2 =	sld [smem:$0x3FD9]  }
0x89: {  	s3 =	sld [smem:$0x3FFE];
	_ =	sdelay $0x1  }
0x8a: {  	s1 =	srdreg.scid  }
0x8b: {  	s0 =	sand.u32 $0x1, s1  }
0x8c: {  	s17 =	sshll.u32 s0, $0xA;
	s2 =	sadd.s32 s3, s2  }
0x8d: {  	s2 =	sadd.s32 s2, s17  }
0x8e: {  	[smem:$0x3FC6] =	sst s2  }
0x8f: {  	_ = 	snop  }
0x90: {  	s2 =	sld [smem:$0x3FC8]  }
0x91: {  	s18 =	sld [smem:$0x3FD0];
	(tm) =	ssettm $0x1  }
0x92: {  	s4 =	sld [smem:$0x3FFB];
	_ =	sdelay $0x3  }
0x93: {  	_ =	strace s4  }
0x94: {  	s4 =	sld [smem:$0x3FFC];
	_ =	sdelay $0x3  }
0x95: {  	_ =	strace s4  }
0x96: {  	s4 =	sld [smem:$0x3FFD];
	_ =	sdelay $0x3  }
0x97: {  	_ =	strace s4  }
0x98: {  	_ =	strace $0x8FFFFFFF  }
0x99: {  	s19 =	sld [smem:$0x3FDB];
	_ =	sdelay $0x1  }
0x9a: {  	s5 =	simm.s32 $_scs_section_size  }
0x9b: {  	s6 =	simm.s32 $_size__tile_overlayer_lowered;
	s7 =	simm.s32 $_tile_overlayer_lowered  }
0x9c: {  	s22 =	simm.s32 $0x1BFF;
	s21 =	sshll.u32 s7, $0x1;
	s4 =	sadd.s32 s5, s19  }
0x9d: {  	s8 =	simm.s32 $0x0;
	s20 =	sshll.u32 s6, $0x1;
	s6 =	sadd.s32 s21, s4  }
0x9e: {  	[timem:s8], [sflag:s22] =	dma.local [hbm:s6], s20  }
0x9f: {  	_ =	swait.ge [sflag:s22], s20  }
0xa0: {  	s5 =	ssub.s32 $0x0, s20;
	[sflag:s22] =	ssyncset.done $0x0  }
0xa1: {  	[sflag:s22] =	ssyncadd.s32 s5;
	_ =	sdelay $0x1  }
0xa2: {  	s23 =	simm.s32 $0x1B8B  }
0xa3: {  	_ =	swait.ge [sflag:s23], $0x1  }
0xa4: {  	[sflag:s23] =	ssyncset.done $0x0  }
0xa5: {  	s25 =	simm.s32 $0x1B8E;
	s24 =	sld [smem:$0x3FFE];
	[sflag:s23] =	ssyncadd.s32 $0xFFFFFFFF  }
0xa6: {  	s26 =	simm.s32 $execute0_lowered;
	[smem:$0x3FD2] =	sst s25  }
0xa7: {  	s6 =	sshll.u32 s26, $0x1;
	_ =	strace $0x80000046;
	[dreg:$0x1] =	wrdreg $0xFFFFFFFF  }
0xa8: {  	s28 =	simm.s32 $_size_execute0_lowered;
	s4 =	sadd.s32 s4, s6;
	[dreg:$0x0] =	wrdreg $0x0  }
0xa9: {  	s6 =	sshll.u32 s28, $0x1;
	[dreg:$0x2] =	wrdreg s4  }
0xaa: {  	[dreg:$0x3] =	wrdreg s6  }
0xab: {  	[dreg:$0x4] =	wrdreg $0xC0  }
0xac: {  	_ =	task [dreg:s8], $0x5FFFF  }
0xad: {  	[dreg:$0x1] =	wrdreg $0xFFFFFFFF  }
0xae: {  	[dreg:$0x0] =	wrdreg $0x60  }
0xaf: {  	[dreg:$0x2] =	wrdreg s2  }
0xb0: {  	[dreg:$0x3] =	wrdreg s24  }
0xb1: {  	[dreg:$0x4] =	wrdreg s18  }
0xb2: {  	[dreg:$0x5] =	wrdreg $0x9  }
0xb3: {  	_ =	task.clear_ibuf [dreg:s8], $0x6FFFF;
	_ =	strace $0x90000046  }
0xb4: {  	s29 =	simm.s32 $0x9;
	_ =	strace $0x80000048  }
0xb5: {  	_ =	swait.ge [sflag:s29], $0x1  }
0xb6: {  	[sflag:s29] =	ssyncadd.s32 $0xFFFFFFFF  }
0xb7: {  	_ =	strace $0x90000048  }
0xb8: {  	_ =	sfence  }
0xb9: {  	s30 =	sld [smem:$0x0];
	_ =	sdelay $0x2  }
0xba: {  	s31 =	sshll.u32 s1, $0xD;
	s1 =	sshrl.u32 s1, $0x2  }
0xbb: {  	s3 =	sand.u32 $0x4000, s31;
	s1 =	sadd.s32 s1, s30  }
0xbc: {  	s0 =	sor.u32 s3, s0;
	s1 =	sshll.u32 s1, $0x11  }
0xbd: {  	s0 =	sor.u32 s1, s0  }
0xbe: {  	s0 =	sadd.s32 $0x8F2B, s0  }
0xbf: {  	[sflag:s0] =	ssyncadd.remote.s32 $0x1  }
0xc0: {  	_ =	sfence.sel $0xFFFF  }
0xc1: {  	[dreg:$0x0] =	wrdreg $0xFFFFFFFF;
	(pc) =	sbr.abs _section_cstart, $3  }
0xc2: {  	[dreg:$0x1] =	wrdreg $0xFFFFFFFF  }
0xc3: {  	_ =	task.clear_ibuf [dreg:s8], $0x2FFFF;
	_ =	strace $0x9FFFFFFF  }
0xc4: {  	(tm) =	ssettm $0x7FFFFFFF  }
0xc5: {  	_ =	shalt  }
tec
execute0_lowered:
.L_overlay_start_1:
0x0: {  	(tag) =	ssettag $0x1  }
0x1: {  	s1 =	rddreg [dreg:$0x0]  }
0x2: {  	s0 =	rddreg [dreg:$0x1];
	s2 =	srdreg.scid  }
0x3: {  	s3 =	stileid.u32;
	s4 =	rddreg [dreg:$0x2]  }
0x4: {  	s31 =	simm.s32 $0x5;
	s12 =	simm.s32 $0x6000;
	s13 =	simm.s32 $0x6800  }
0x5: {  	s14 =	simm.s32 $0x7000;
	s16 =	simm.s32 $0x7800;
	s17 =	simm.s32 $0x8000  }
0x6: {  	s18 =	simm.s32 $0x8800;
	s19 =	simm.s32 $0x9000;
	s20 =	simm.s32 $0x9800  }
0x7: {  	s15 =	simm.s32 $0xA000;
	s21 =	simm.s32 $0xA800;
	s22 =	simm.s32 $0xB000  }
0x8: {  	s23 =	simm.s32 $0xB800;
	s24 =	simm.s32 $0xC000;
	s28 =	simm.s32 $0x3  }
0x9: {  	s29 =	simm.s32 $0x4;
	s2 =	sand.u32 $0x1, s2;
	s3 =	sshll.u32 s3, $0x1  }
0xa: {  	s6 =	sadd.s32 $0x200, s1;
	s7 =	sadd.s32 $0x300, s1;
	s8 =	sadd.s32 $0x400, s1  }
0xb: {  	s9 =	sadd.s32 $0x500, s1;
	s11 =	sadd.s32 $0x700, s1;
	s10 =	sor.u32 s2, s3  }
0xc: {  	s3 =	simm.s32 $0x0;
	s2 =	ssub.s32 $0x2, s2;
	s5 =	sshll.u32 s10, $0xB  }
0xd: {  	[smem:$0x7FF] =	sst s3;
	s25 =	sshrl.u32 s2, $0x1;
	s26 =	sshll.u32 s10, $0x12  }
0xe: {  	s10 =	sadd.s32 $0x600, s1;
	s0 =	sadd.s32 s5, s0;
	_ =	strace $0x80000047  }
0xf: {  	s2 =	ssub.s32 s2, s25;
	s5 =	sadd.s32 $0x100, s1;
	s0 =	sadd.s32 $0x400, s0  }
0x10: {  	s25 =	simm.s32 $0x1;
	s30 =	smax.u32 s2, $0x1;
	[dreg:$0x4] =	wrdreg s0  }
0x11: {  	v0 =	vlaneseq.u32;
	s2 =	simm.s32 $0x5000;
	s0 =	sadd.s32 s4, s26;
	[dreg:$0x6] =	wrdreg s30  }
0x12: {  	v1 =	vshrl.u32 v0, $0x3;
	s4 =	simm.s32 $0x5800;
	s30 =	simm.s32 $0x0;
	[dreg:$0x5] =	wrdreg s0  }
0x13: {  	vm0 =	vmmov $0xffff;
	v0 =	vand.u32 $0x7, v0;
	v1 =	vmul.u32 $0x8, v1;
	s26 =	simm.s32 $0x2;
	s0 =	simm.s32 $0x4800;
	[dreg:$0x7] =	wrdreg s30  }
.LBB2_1:
0x14: {  	s30 =	rddreg [dreg:$0x4]  }
0x15: {  	[tilespmem:s3], [sflag:$0x5] =	stream.linear.gather [hbm4b:s30+s3], $0x4000, $0x38;
	[tilespmem:$0x14000] =	vst v63  }
0x16: {  	_ =	swait.ge [sflag:s31], $0x4000  }
0x17: {  	[sflag:s31] =	ssyncset.done $0x0  }
0x18: {  	[sflag:s31] =	ssyncadd.s32 $0xFFFFC000  }
0x19: {  	v2 =	vld.msk [tilespmem:$0x0], $0xff;
	_ =	sdelay $0x4  }
0x1a: {  	v3 =	vshll.u32 v2, $0x4  }
0x1b: {  	v2 =	vand.u32 $0x7, v2;
	v3 =	vand.u32 $0xFFFFFF80, v3  }
0x1c: {  	v2 =	vor.u32 v2, v3  }
0x1d: {  	v2 =	vperm.xlane v2, v0;
	_ =	sdelay $0x1  }
0x1e: {  	v2 =	vadd.s32 v1, v2;
	_ =	sdelay $0x3  }
0x1f: {  	s30 =	simm.s32 $0x4000  }
0x20: {  	[tilespmem:s30], [sflag:$0x1] =	stream.indirect_vreg.gather [hbm4b:s1+s3], $0x80, v2, vm0, $0xb8;
	[tilespmem:$0x14000] =	vst v63  }
0x21: {  	_ = 	snop  }
0x22: {  	[tilespmem:s0], [sflag:$0x1] =	stream.indirect_vreg.gather [hbm4b:s5+s3], $0x80, v2, vm0, $0xb8;
	[tilespmem:$0x14000] =	vst v63  }
0x23: {  	_ = 	snop  }
0x24: {  	[tilespmem:s2], [sflag:$0x1] =	stream.indirect_vreg.gather [hbm4b:s6+s3], $0x80, v2, vm0, $0xb8;
	[tilespmem:$0x14000] =	vst v63  }
0x25: {  	_ = 	snop  }
0x26: {  	[tilespmem:s4], [sflag:$0x1] =	stream.indirect_vreg.gather [hbm4b:s7+s3], $0x80, v2, vm0, $0xb8;
	[tilespmem:$0x14000] =	vst v63  }
0x27: {  	_ = 	snop  }
0x28: {  	[tilespmem:s12], [sflag:$0x1] =	stream.indirect_vreg.gather [hbm4b:s8+s3], $0x80, v2, vm0, $0xb8;
	[tilespmem:$0x14000] =	vst v63  }
0x29: {  	_ = 	snop  }
0x2a: {  	[tilespmem:s13], [sflag:$0x1] =	stream.indirect_vreg.gather [hbm4b:s9+s3], $0x80, v2, vm0, $0xb8;
	[tilespmem:$0x14000] =	vst v63  }
0x2b: {  	_ = 	snop  }
0x2c: {  	[tilespmem:s14], [sflag:$0x1] =	stream.indirect_vreg.gather [hbm4b:s10+s3], $0x80, v2, vm0, $0xb8;
	[tilespmem:$0x14000] =	vst v63  }
0x2d: {  	_ = 	snop  }
0x2e: {  	[tilespmem:s16], [sflag:$0x1] =	stream.indirect_vreg.gather [hbm4b:s11+s3], $0x80, v2, vm0, $0xb8;
	[tilespmem:$0x14000] =	vst v63  }
0x2f: {  	v2 =	vld.msk [tilespmem:$0x80], $0xff;
	_ =	sdelay $0x4  }
0x30: {  	v3 =	vshll.u32 v2, $0x4  }
0x31: {  	v2 =	vand.u32 $0x7, v2;
	v3 =	vand.u32 $0xFFFFFF80, v3  }
0x32: {  	v2 =	vor.u32 v2, v3  }
0x33: {  	v2 =	vperm.xlane v2, v0;
	_ =	sdelay $0x1  }
0x34: {  	v2 =	vadd.s32 v1, v2;
	_ =	sdelay $0x4  }
0x35: {  	[tilespmem:s17], [sflag:$0x2] =	stream.indirect_vreg.gather [hbm4b:s1+s3], $0x80, v2, vm0, $0xb8;
	[tilespmem:$0x14000] =	vst v63  }
0x36: {  	_ = 	snop  }
0x37: {  	[tilespmem:s18], [sflag:$0x2] =	stream.indirect_vreg.gather [hbm4b:s5+s3], $0x80, v2, vm0, $0xb8;
	[tilespmem:$0x14000] =	vst v63  }
0x38: {  	_ = 	snop  }
0x39: {  	[tilespmem:s19], [sflag:$0x2] =	stream.indirect_vreg.gather [hbm4b:s6+s3], $0x80, v2, vm0, $0xb8;
	[tilespmem:$0x14000] =	vst v63  }
0x3a: {  	_ = 	snop  }
0x3b: {  	[tilespmem:s20], [sflag:$0x2] =	stream.indirect_vreg.gather [hbm4b:s7+s3], $0x80, v2, vm0, $0xb8;
	[tilespmem:$0x14000] =	vst v63  }
0x3c: {  	_ = 	snop  }
0x3d: {  	[tilespmem:s15], [sflag:$0x2] =	stream.indirect_vreg.gather [hbm4b:s8+s3], $0x80, v2, vm0, $0xb8;
	[tilespmem:$0x14000] =	vst v63  }
0x3e: {  	_ = 	snop  }
0x3f: {  	[tilespmem:s21], [sflag:$0x2] =	stream.indirect_vreg.gather [hbm4b:s9+s3], $0x80, v2, vm0, $0xb8;
	[tilespmem:$0x14000] =	vst v63  }
0x40: {  	_ = 	snop  }
0x41: {  	[tilespmem:s22], [sflag:$0x2] =	stream.indirect_vreg.gather [hbm4b:s10+s3], $0x80, v2, vm0, $0xb8;
	[tilespmem:$0x14000] =	vst v63  }
0x42: {  	_ = 	snop  }
0x43: {  	[tilespmem:s23], [sflag:$0x2] =	stream.indirect_vreg.gather [hbm4b:s11+s3], $0x80, v2, vm0, $0xb8;
	[tilespmem:$0x14000] =	vst v63  }
0x44: {  	v2 =	vld.msk [tilespmem:$0x100], $0xff;
	_ =	sdelay $0x4  }
0x45: {  	v3 =	vshll.u32 v2, $0x4  }
0x46: {  	v2 =	vand.u32 $0x7, v2;
	v3 =	vand.u32 $0xFFFFFF80, v3  }
0x47: {  	v2 =	vor.u32 v2, v3  }
0x48: {  	v2 =	vperm.xlane v2, v0;
	_ =	sdelay $0x1  }
0x49: {  	v2 =	vadd.s32 v1, v2;
	_ =	sdelay $0x4  }
0x4a: {  	[tilespmem:s24], [sflag:$0x3] =	stream.indirect_vreg.gather [hbm4b:s1+s3], $0x80, v2, vm0, $0xb8;
	[tilespmem:$0x14000] =	vst v63  }
0x4b: {  	s12 =	simm.s32 $0xC800  }
0x4c: {  	[tilespmem:s12], [sflag:$0x3] =	stream.indirect_vreg.gather [hbm4b:s5+s3], $0x80, v2, vm0, $0xb8;
	[tilespmem:$0x14000] =	vst v63  }
0x4d: {  	s13 =	simm.s32 $0xD000  }
0x4e: {  	[tilespmem:s13], [sflag:$0x3] =	stream.indirect_vreg.gather [hbm4b:s6+s3], $0x80, v2, vm0, $0xb8;
	[tilespmem:$0x14000] =	vst v63  }
0x4f: {  	s14 =	simm.s32 $0xD800  }
0x50: {  	[tilespmem:s14], [sflag:$0x3] =	stream.indirect_vreg.gather [hbm4b:s7+s3], $0x80, v2, vm0, $0xb8;
	[tilespmem:$0x14000] =	vst v63  }
0x51: {  	s15 =	simm.s32 $0xE000  }
0x52: {  	[tilespmem:s15], [sflag:$0x3] =	stream.indirect_vreg.gather [hbm4b:s8+s3], $0x80, v2, vm0, $0xb8;
	[tilespmem:$0x14000] =	vst v63  }
0x53: {  	s16 =	simm.s32 $0xE800  }
0x54: {  	[tilespmem:s16], [sflag:$0x3] =	stream.indirect_vreg.gather [hbm4b:s9+s3], $0x80, v2, vm0, $0xb8;
	[tilespmem:$0x14000] =	vst v63  }
0x55: {  	s17 =	simm.s32 $0xF000  }
0x56: {  	[tilespmem:s17], [sflag:$0x3] =	stream.indirect_vreg.gather [hbm4b:s10+s3], $0x80, v2, vm0, $0xb8;
	[tilespmem:$0x14000] =	vst v63  }
0x57: {  	s18 =	simm.s32 $0xF800  }
0x58: {  	[tilespmem:s18], [sflag:$0x3] =	stream.indirect_vreg.gather [hbm4b:s11+s3], $0x80, v2, vm0, $0xb8;
	[tilespmem:$0x14000] =	vst v63  }
0x59: {  	v2 =	vld.msk [tilespmem:$0x180], $0xff;
	_ =	sdelay $0x4  }
0x5a: {  	v3 =	vshll.u32 v2, $0x4  }
0x5b: {  	v2 =	vand.u32 $0x7, v2;
	v3 =	vand.u32 $0xFFFFFF80, v3  }
0x5c: {  	v2 =	vor.u32 v2, v3  }
0x5d: {  	v2 =	vperm.xlane v2, v0;
	_ =	sdelay $0x1  }
0x5e: {  	v2 =	vadd.s32 v1, v2;
	_ =	sdelay $0x3  }
0x5f: {  	s31 =	simm.s32 $0x13000;
	s19 =	simm.s32 $0x10000  }
0x60: {  	[tilespmem:s19], [sflag:$0x4] =	stream.indirect_vreg.gather [hbm4b:s1+s3], $0x80, v2, vm0, $0xb8;
	[tilespmem:$0x14000] =	vst v63  }
0x61: {  	s30 =	simm.s32 $0x0;
	s0 =	simm.s32 $0xC000;
	s20 =	simm.s32 $0x10800  }
0x62: {  	[tilespmem:s20], [sflag:$0x4] =	stream.indirect_vreg.gather [hbm4b:s5+s3], $0x80, v2, vm0, $0xb8;
	[tilespmem:$0x14000] =	vst v63  }
0x63: {  	s4 =	simm.s32 $0x13800;
	s21 =	simm.s32 $0x11000;
	s22 =	simm.s32 $0x11800  }
0x64: {  	[tilespmem:s21], [sflag:$0x4] =	stream.indirect_vreg.gather [hbm4b:s6+s3], $0x80, v2, vm0, $0xb8;
	[tilespmem:$0x14000] =	vst v63  }
0x65: {  	s23 =	simm.s32 $0x12000;
	s24 =	simm.s32 $0x12800;
	s12 =	simm.s32 $0x5800  }
0x66: {  	[tilespmem:s22], [sflag:$0x4] =	stream.indirect_vreg.gather [hbm4b:s7+s3], $0x80, v2, vm0, $0xb8;
	[tilespmem:$0x14000] =	vst v63  }
0x67: {  	s13 =	simm.s32 $0x6000;
	s14 =	simm.s32 $0x6800;
	s15 =	simm.s32 $0xA000  }
0x68: {  	[tilespmem:s23], [sflag:$0x4] =	stream.indirect_vreg.gather [hbm4b:s8+s3], $0x80, v2, vm0, $0xb8;
	[tilespmem:$0x14000] =	vst v63  }
0x69: {  	s16 =	simm.s32 $0x7000;
	s17 =	simm.s32 $0x7800;
	s18 =	simm.s32 $0x8000  }
0x6a: {  	[tilespmem:s24], [sflag:$0x4] =	stream.indirect_vreg.gather [hbm4b:s9+s3], $0x80, v2, vm0, $0xb8;
	[tilespmem:$0x14000] =	vst v63  }
0x6b: {  	s19 =	simm.s32 $0x8800;
	s20 =	simm.s32 $0x9000;
	s21 =	simm.s32 $0x9800  }
0x6c: {  	[tilespmem:s31], [sflag:$0x4] =	stream.indirect_vreg.gather [hbm4b:s10+s3], $0x80, v2, vm0, $0xb8;
	[tilespmem:$0x14000] =	vst v63  }
0x6d: {  	s22 =	simm.s32 $0xA800;
	s23 =	simm.s32 $0xB000;
	s24 =	simm.s32 $0xB800  }
0x6e: {  	[tilespmem:s4], [sflag:$0x4] =	stream.indirect_vreg.gather [hbm4b:s11+s3], $0x80, v2, vm0, $0xb8;
	[tilespmem:$0x14000] =	vst v63  }
.LBB2_2:
0x6f: {  	_ =	swait.ge [sflag:s25], $0x4000  }
0x70: {  	[sflag:s25] =	ssyncset.done $0x0  }
0x71: {  	s31 =	sshra.s32 s30, $0x2;
	[sflag:s25] =	ssyncadd.s32 $0xFFFFC000  }
0x72: {  	v2 =	vld.msk [tilespmem:s31+$0x200], $0xff;
	_ =	sdelay $0x4  }
0x73: {  	v3 =	vshll.u32 v2, $0x4  }
0x74: {  	v2 =	vand.u32 $0x7, v2;
	v3 =	vand.u32 $0xFFFFFF80, v3  }
0x75: {  	v2 =	vor.u32 v2, v3  }
0x76: {  	v2 =	vperm.xlane v2, v0;
	_ =	sdelay $0x1  }
0x77: {  	v2 =	vadd.s32 v1, v2;
	_ =	sdelay $0x3  }
0x78: {  	s2 =	simm.s32 $0x4000  }
0x79: {  	[tilespmem:s2], [sflag:$0x1] =	stream.indirect_vreg.gather [hbm4b:s1+s3], $0x80, v2, vm0, $0xb8;
	[tilespmem:$0x14000] =	vst v63  }
0x7a: {  	s2 =	simm.s32 $0x4800  }
0x7b: {  	[tilespmem:s2], [sflag:$0x1] =	stream.indirect_vreg.gather [hbm4b:s5+s3], $0x80, v2, vm0, $0xb8;
	[tilespmem:$0x14000] =	vst v63  }
0x7c: {  	s2 =	simm.s32 $0x5000  }
0x7d: {  	[tilespmem:s2], [sflag:$0x1] =	stream.indirect_vreg.gather [hbm4b:s6+s3], $0x80, v2, vm0, $0xb8;
	[tilespmem:$0x14000] =	vst v63  }
0x7e: {  	_ = 	snop  }
0x7f: {  	[tilespmem:s12], [sflag:$0x1] =	stream.indirect_vreg.gather [hbm4b:s7+s3], $0x80, v2, vm0, $0xb8;
	[tilespmem:$0x14000] =	vst v63  }
0x80: {  	_ = 	snop  }
0x81: {  	[tilespmem:s13], [sflag:$0x1] =	stream.indirect_vreg.gather [hbm4b:s8+s3], $0x80, v2, vm0, $0xb8;
	[tilespmem:$0x14000] =	vst v63  }
0x82: {  	_ = 	snop  }
0x83: {  	[tilespmem:s14], [sflag:$0x1] =	stream.indirect_vreg.gather [hbm4b:s9+s3], $0x80, v2, vm0, $0xb8;
	[tilespmem:$0x14000] =	vst v63  }
0x84: {  	_ = 	snop  }
0x85: {  	[tilespmem:s16], [sflag:$0x1] =	stream.indirect_vreg.gather [hbm4b:s10+s3], $0x80, v2, vm0, $0xb8;
	[tilespmem:$0x14000] =	vst v63  }
0x86: {  	_ = 	snop  }
0x87: {  	[tilespmem:s17], [sflag:$0x1] =	stream.indirect_vreg.gather [hbm4b:s11+s3], $0x80, v2, vm0, $0xb8;
	[tilespmem:$0x14000] =	vst v63  }
0x88: {  	_ =	swait.ge [sflag:s26], $0x4000  }
0x89: {  	[sflag:s26] =	ssyncset.done $0x0  }
0x8a: {  	[sflag:s26] =	ssyncadd.s32 $0xFFFFC000  }
0x8b: {  	v2 =	vld.msk [tilespmem:s31+$0x280], $0xff;
	_ =	sdelay $0x4  }
0x8c: {  	v3 =	vshll.u32 v2, $0x4  }
0x8d: {  	v2 =	vand.u32 $0x7, v2;
	v3 =	vand.u32 $0xFFFFFF80, v3  }
0x8e: {  	v2 =	vor.u32 v2, v3  }
0x8f: {  	v2 =	vperm.xlane v2, v0;
	_ =	sdelay $0x1  }
0x90: {  	v2 =	vadd.s32 v1, v2;
	_ =	sdelay $0x4  }
0x91: {  	[tilespmem:s18], [sflag:$0x2] =	stream.indirect_vreg.gather [hbm4b:s1+s3], $0x80, v2, vm0, $0xb8;
	[tilespmem:$0x14000] =	vst v63  }
0x92: {  	_ = 	snop  }
0x93: {  	[tilespmem:s19], [sflag:$0x2] =	stream.indirect_vreg.gather [hbm4b:s5+s3], $0x80, v2, vm0, $0xb8;
	[tilespmem:$0x14000] =	vst v63  }
0x94: {  	_ = 	snop  }
0x95: {  	[tilespmem:s20], [sflag:$0x2] =	stream.indirect_vreg.gather [hbm4b:s6+s3], $0x80, v2, vm0, $0xb8;
	[tilespmem:$0x14000] =	vst v63  }
0x96: {  	_ = 	snop  }
0x97: {  	[tilespmem:s21], [sflag:$0x2] =	stream.indirect_vreg.gather [hbm4b:s7+s3], $0x80, v2, vm0, $0xb8;
	[tilespmem:$0x14000] =	vst v63  }
0x98: {  	_ = 	snop  }
0x99: {  	[tilespmem:s15], [sflag:$0x2] =	stream.indirect_vreg.gather [hbm4b:s8+s3], $0x80, v2, vm0, $0xb8;
	[tilespmem:$0x14000] =	vst v63  }
0x9a: {  	_ = 	snop  }
0x9b: {  	[tilespmem:s22], [sflag:$0x2] =	stream.indirect_vreg.gather [hbm4b:s9+s3], $0x80, v2, vm0, $0xb8;
	[tilespmem:$0x14000] =	vst v63  }
0x9c: {  	_ = 	snop  }
0x9d: {  	[tilespmem:s23], [sflag:$0x2] =	stream.indirect_vreg.gather [hbm4b:s10+s3], $0x80, v2, vm0, $0xb8;
	[tilespmem:$0x14000] =	vst v63  }
0x9e: {  	_ = 	snop  }
0x9f: {  	[tilespmem:s24], [sflag:$0x2] =	stream.indirect_vreg.gather [hbm4b:s11+s3], $0x80, v2, vm0, $0xb8;
	[tilespmem:$0x14000] =	vst v63  }
0xa0: {  	_ =	swait.ge [sflag:s28], $0x4000  }
0xa1: {  	[sflag:s28] =	ssyncset.done $0x0  }
0xa2: {  	[sflag:s28] =	ssyncadd.s32 $0xFFFFC000  }
0xa3: {  	v2 =	vld.msk [tilespmem:s31+$0x300], $0xff;
	_ =	sdelay $0x4  }
0xa4: {  	v3 =	vshll.u32 v2, $0x4  }
0xa5: {  	v2 =	vand.u32 $0x7, v2;
	v3 =	vand.u32 $0xFFFFFF80, v3  }
0xa6: {  	v2 =	vor.u32 v2, v3  }
0xa7: {  	v2 =	vperm.xlane v2, v0;
	_ =	sdelay $0x1  }
0xa8: {  	v2 =	vadd.s32 v1, v2;
	_ =	sdelay $0x4  }
0xa9: {  	[tilespmem:s0], [sflag:$0x3] =	stream.indirect_vreg.gather [hbm4b:s1+s3], $0x80, v2, vm0, $0xb8;
	[tilespmem:$0x14000] =	vst v63  }
0xaa: {  	s2 =	simm.s32 $0xC800  }
0xab: {  	[tilespmem:s2], [sflag:$0x3] =	stream.indirect_vreg.gather [hbm4b:s5+s3], $0x80, v2, vm0, $0xb8;
	[tilespmem:$0x14000] =	vst v63  }
0xac: {  	s2 =	simm.s32 $0xD000  }
0xad: {  	[tilespmem:s2], [sflag:$0x3] =	stream.indirect_vreg.gather [hbm4b:s6+s3], $0x80, v2, vm0, $0xb8;
	[tilespmem:$0x14000] =	vst v63  }
0xae: {  	s2 =	simm.s32 $0xD800  }
0xaf: {  	[tilespmem:s2], [sflag:$0x3] =	stream.indirect_vreg.gather [hbm4b:s7+s3], $0x80, v2, vm0, $0xb8;
	[tilespmem:$0x14000] =	vst v63  }
0xb0: {  	s2 =	simm.s32 $0xE000  }
0xb1: {  	[tilespmem:s2], [sflag:$0x3] =	stream.indirect_vreg.gather [hbm4b:s8+s3], $0x80, v2, vm0, $0xb8;
	[tilespmem:$0x14000] =	vst v63  }
0xb2: {  	s2 =	simm.s32 $0xE800  }
0xb3: {  	[tilespmem:s2], [sflag:$0x3] =	stream.indirect_vreg.gather [hbm4b:s9+s3], $0x80, v2, vm0, $0xb8;
	[tilespmem:$0x14000] =	vst v63  }
0xb4: {  	s2 =	simm.s32 $0xF000  }
0xb5: {  	[tilespmem:s2], [sflag:$0x3] =	stream.indirect_vreg.gather [hbm4b:s10+s3], $0x80, v2, vm0, $0xb8;
	[tilespmem:$0x14000] =	vst v63  }
0xb6: {  	s2 =	simm.s32 $0xF800  }
0xb7: {  	[tilespmem:s2], [sflag:$0x3] =	stream.indirect_vreg.gather [hbm4b:s11+s3], $0x80, v2, vm0, $0xb8;
	[tilespmem:$0x14000] =	vst v63  }
0xb8: {  	_ =	swait.ge [sflag:s29], $0x4000  }
0xb9: {  	[sflag:s29] =	ssyncset.done $0x0  }
0xba: {  	[sflag:s29] =	ssyncadd.s32 $0xFFFFC000  }
0xbb: {  	v2 =	vld.msk [tilespmem:s31+$0x380], $0xff;
	_ =	sdelay $0x4  }
0xbc: {  	v3 =	vshll.u32 v2, $0x4  }
0xbd: {  	v2 =	vand.u32 $0x7, v2;
	v3 =	vand.u32 $0xFFFFFF80, v3  }
0xbe: {  	v2 =	vor.u32 v2, v3  }
0xbf: {  	v2 =	vperm.xlane v2, v0;
	_ =	sdelay $0x1  }
0xc0: {  	v2 =	vadd.s32 v1, v2;
	_ =	sdelay $0x3  }
0xc1: {  	s31 =	simm.s32 $0x10000  }
0xc2: {  	[tilespmem:s31], [sflag:$0x4] =	stream.indirect_vreg.gather [hbm4b:s1+s3], $0x80, v2, vm0, $0xb8;
	[tilespmem:$0x14000] =	vst v63  }
0xc3: {  	s31 =	simm.s32 $0x10800  }
0xc4: {  	[tilespmem:s31], [sflag:$0x4] =	stream.indirect_vreg.gather [hbm4b:s5+s3], $0x80, v2, vm0, $0xb8;
	[tilespmem:$0x14000] =	vst v63  }
0xc5: {  	s31 =	simm.s32 $0x11000  }
0xc6: {  	[tilespmem:s31], [sflag:$0x4] =	stream.indirect_vreg.gather [hbm4b:s6+s3], $0x80, v2, vm0, $0xb8;
	[tilespmem:$0x14000] =	vst v63  }
0xc7: {  	s31 =	simm.s32 $0x11800  }
0xc8: {  	[tilespmem:s31], [sflag:$0x4] =	stream.indirect_vreg.gather [hbm4b:s7+s3], $0x80, v2, vm0, $0xb8;
	[tilespmem:$0x14000] =	vst v63  }
0xc9: {  	s31 =	simm.s32 $0x12000  }
0xca: {  	[tilespmem:s31], [sflag:$0x4] =	stream.indirect_vreg.gather [hbm4b:s8+s3], $0x80, v2, vm0, $0xb8;
	[tilespmem:$0x14000] =	vst v63  }
0xcb: {  	p0 =	sne.s32 s30, $0xF000;
	s31 =	simm.s32 $0x12800  }
0xcc: {  	[tilespmem:s31], [sflag:$0x4] =	stream.indirect_vreg.gather [hbm4b:s9+s3], $0x80, v2, vm0, $0xb8;
	[tilespmem:$0x14000] =	vst v63  }
.Ltmp0:
0xcd: {  	_ = 	snop;
	(pc) =	sbr.rel @p0 .LBB2_2-.Ltmp0, $4  }
0xce: {  	s31 =	simm.s32 $0x13000  }
0xcf: {  	[tilespmem:s31], [sflag:$0x4] =	stream.indirect_vreg.gather [hbm4b:s10+s3], $0x80, v2, vm0, $0xb8;
	[tilespmem:$0x14000] =	vst v63  }
0xd0: {  	s30 =	sadd.s32 $0x800, s30  }
0xd1: {  	[tilespmem:s4], [sflag:$0x4] =	stream.indirect_vreg.gather [hbm4b:s11+s3], $0x80, v2, vm0, $0xb8;
	[tilespmem:$0x14000] =	vst v63  }
0xd2: {  	_ =	swait.ge [sflag:s25], $0x4000  }
0xd3: {  	[sflag:s25] =	ssyncset.done $0x0  }
0xd4: {  	[sflag:s25] =	ssyncadd.s32 $0xFFFFC000  }
0xd5: {  	_ =	swait.ge [sflag:s26], $0x4000  }
0xd6: {  	[sflag:s26] =	ssyncset.done $0x0  }
0xd7: {  	[sflag:s26] =	ssyncadd.s32 $0xFFFFC000  }
0xd8: {  	_ =	swait.ge [sflag:s28], $0x4000  }
0xd9: {  	[sflag:s28] =	ssyncset.done $0x0  }
0xda: {  	[sflag:s28] =	ssyncadd.s32 $0xFFFFC000  }
0xdb: {  	_ =	swait.ge [sflag:s29], $0x4000  }
0xdc: {  	s2 =	simm.s32 $0x4000;
	[sflag:s29] =	ssyncset.done $0x0  }
0xdd: {  	s31 =	simm.s32 $0x5;
	s30 =	rddreg [dreg:$0x5];
	[sflag:s29] =	ssyncadd.s32 $0xFFFFC000  }
0xde: {  	[hbm4b:s30+s3] =	stream.linear.scatter [tilespmem:s2], [sflag:$0x5], $0x4000, $0x38;
	[tilespmem:$0x14000] =	vst v63  }
0xdf: {  	_ =	swait.ge [sflag:s31], $0x4000  }
0xe0: {  	s4 =	simm.s32 $0x5800;
	s12 =	simm.s32 $0x6000;
	s0 =	rddreg [dreg:$0x7]  }
0xe1: {  	s13 =	simm.s32 $0x6800;
	s24 =	rddreg [dreg:$0x6];
	s0 =	sadd.s32 $0x1, s0  }
0xe2: {  	s14 =	simm.s32 $0x7000;
	s16 =	simm.s32 $0x7800;
	p0 =	sne.s32 s0, s24  }
.Ltmp1:
0xe3: {  	s17 =	simm.s32 $0x8000;
	s18 =	simm.s32 $0x8800;
	(pc) =	sbr.rel @p0 .LBB2_1-.Ltmp1, $4  }
0xe4: {  	s19 =	simm.s32 $0x9000;
	s20 =	simm.s32 $0x9800;
	s15 =	simm.s32 $0xA000  }
0xe5: {  	s21 =	simm.s32 $0xA800;
	s22 =	simm.s32 $0xB000;
	[sflag:s31] =	ssyncset.done $0x0  }
0xe6: {  	s23 =	simm.s32 $0xB800;
	s2 =	simm.s32 $0x5000;
	[sflag:s31] =	ssyncadd.s32 $0xFFFFC000  }
0xe7: {  	[dreg:$0x7] =	wrdreg s0;
	s0 =	simm.s32 $0x4800;
	s24 =	simm.s32 $0xC000  }
0xe8: {  	_ =	sfence.sel $0x180000  }
0xe9: {  	[bflag:$0x0] =	sbarrier.arrive $0xFFFF  }
0xea: {  	_ =	strace $0x90000047  }
0xeb: {  	s0 =	stileid.u32;
	[bflag:$0x2] =	sbarrier.arrive $0xFFFF  }
0xec: {  	p0 =	sne.s32 s0, $0x0;
	s0 =	rddreg [dreg:$0x3]  }
0xed: {  	s0 =	sadd.s32 @!p0 $0x100000, s0  }
0xee: {  	[sflag:s0] =	ssyncadd.tile.s32 @!p0 $0x1;
	_ =	shalt  }
.Lfunc_end2:
_tile_overlayer_lowered:
.L_overlay_start_2:
0xef: {  	(tag) =	ssettag $0x2  }
0xf0: {  	s0 =	rddreg [dreg:$0x0];
	s2 =	stileid.u32  }
0xf1: {  	s1 =	rddreg [dreg:$0x1];
	p0 =	sne.s32 s2, $0x0  }
0xf2: {  	s3 =	rddreg [dreg:$0x2];
	[bflag:$0x3] =	sbarrier.arrive $0xFFFF;
	s2 =	simm.s32 @!p0 $0x1C05  }
0xf3: {  	[timem:s3], [sflag:s2] =	dma.local @!p0 [hbm:s0], s1  }
0xf4: {  	s0 =	simm.s32 @!p0 $0x5  }
0xf5: {  	_ =	swait.ge @!p0 [sflag:s0], s1  }
0xf6: {  	s1 =	ssub.s32 @!p0 $0x0, s1;
	[sflag:s0] =	ssyncset.done @!p0 $0x0  }
0xf7: {  	[sflag:s0] =	ssyncadd.s32 @!p0 s1  }
0xf8: {  	[bflag:$0x3] =	sbarrier.arrive $0xFFFF  }
0xf9: {  	_ =	shalt  }

</sc_bundles>
